<compile_context>
chip_gen: v7x
topology: tpu7x:2x2x1
jax: 0.10.2.dev20260603
libtpu: 0.0.44.dev20260713+nightly
codegen_flags: <defaults>
</compile_context>

<pallas_src>
import functools

import jax
import jax.numpy as jnp
from jax import lax
from jax.experimental import pallas as pl
from jax.experimental.pallas import tpu as pltpu
from jax.experimental.pallas import tpu_sc as plsc

B = 16
S_LEN = 128
N_HASH = 64
M_BLOOM = 1024
W_WIN = 3
NBLK = 2 * W_WIN + 1

LANES = 16
NUM_CORES = 2
NUM_SUBCORES = 16
MH = M_BLOOM // 2
SBLKS = S_LEN // LANES


SH = S_LEN // 2
SBLKS = SH // LANES


def _hist_body(mh_hbm, cnt_hbm, inp, cnt, sem):
    wid = lax.axis_index("s") * NUM_CORES + lax.axis_index("c")
    b = wid // 2
    s_base = (wid % 2) * SH

    in_copy = pltpu.make_async_copy(mh_hbm.at[b, pl.ds(s_base, SH), :], inp, sem)
    in_copy.start()

    zeros = jnp.zeros((LANES,), jnp.float32)

    def zrow(r, _):
        for j in range(SH // LANES):
            cnt[r, pl.ds(j * LANES, LANES)] = zeros
        return 0

    lax.fori_loop(0, M_BLOOM, zrow, 0)
    in_copy.wait()

    iota = lax.iota(jnp.int32, LANES)
    ones = jnp.ones((LANES,), jnp.float32)

    def scat(i, _):
        n = i // SBLKS
        sb = i - n * SBLKS
        s_vec = sb * LANES + iota
        n_vec = jnp.full((LANES,), n, jnp.int32)
        h = plsc.load_gather(inp, [s_vec, n_vec])
        m = h & (M_BLOOM - 1)
        plsc.addupdate_scatter(cnt, [m, s_vec], ones)
        return 0

    lax.fori_loop(0, N_HASH * SBLKS, scat, 0)

    pltpu.sync_copy(cnt, cnt_hbm.at[b, :, pl.ds(s_base, SH)])


def _sc_histogram(minhashes):
    mesh = plsc.VectorSubcoreMesh(
        core_axis_name="c", subcore_axis_name="s",
        num_cores=NUM_CORES, num_subcores=NUM_SUBCORES,
    )
    run = pl.kernel(
        _hist_body,
        out_type=jax.ShapeDtypeStruct((B, M_BLOOM, S_LEN), jnp.float32),
        mesh=mesh,
        scratch_types=[
            pltpu.VMEM((SH, N_HASH), jnp.int32),
            pltpu.VMEM((M_BLOOM, SH), jnp.float32),
            pltpu.SemaphoreType.DMA,
        ],
        compiler_params=pltpu.CompilerParams(
            use_tc_tiling_on_sc=False, needs_layout_passes=False
        ),
    )
    return run(minhashes)


BPG = 4


def _emit_body(cin, cout):
    shifts = [W_WIN - k for k in range(NBLK) if k != 3]
    pm = jnp.concatenate(
        [jnp.eye(S_LEN, S_LEN, k=d, dtype=jnp.float32) for d in shifts], axis=1
    )
    for bb in range(BPG):
        x = cin[bb]
        y = jax.lax.dot_general(
            x, pm, (((1,), (0,)), ((), ())), preferred_element_type=jnp.float32
        )
        col = 0
        for k in range(NBLK):
            if k == 3:
                cout[bb, 3 * M_BLOOM : 4 * M_BLOOM, :] = x
            else:
                cout[bb, k * M_BLOOM : (k + 1) * M_BLOOM, :] = y[
                    :, col * S_LEN : (col + 1) * S_LEN
                ]
                col += 1


def _tc_emit(counts):
    return pl.pallas_call(
        _emit_body,
        out_shape=jax.ShapeDtypeStruct((B, NBLK * M_BLOOM, S_LEN), jnp.float32),
        grid=(B // BPG,),
        in_specs=[pl.BlockSpec((BPG, M_BLOOM, S_LEN), lambda i: (i, 0, 0))],
        out_specs=pl.BlockSpec((BPG, NBLK * M_BLOOM, S_LEN), lambda i: (i, 0, 0)),
        compiler_params=pltpu.CompilerParams(vmem_limit_bytes=120 * 1024 * 1024),
    )(counts)


@functools.partial(jax.jit, static_argnames=())
def kernel(minhashes):
    return _tc_emit(_sc_histogram(minhashes))

# --- scband reference (transcript-rebuilt; emitter-appended) ---
"""Pipeline reference for scband-projective-layer-66675072303463 (READ-ONLY COPY).

The authoritative reference and input builder live on the scoring server;
editing this copy changes nothing except your own understanding.
"""

import jax, jax.numpy as jnp
import numpy as np

BATCH = 16
S_LEN = 128
N_HASH = 64
M_BLOOM = 1024
W_WIN = 3


def setup_inputs(seed: int = 0) -> dict:
    key = jax.random.key(seed)
    minhashes = jax.random.randint(key, (BATCH, S_LEN, N_HASH), 0, 1048576, dtype=jnp.int32)
    return {"minhashes": minhashes}


def counting_bloom_filter(F):
    # F: int32[B, S, N] min-hashes. Equivalent of np.bincount along last axis after mod M.
    Fp = jnp.mod(F, M_BLOOM)
    B, S, N = Fp.shape
    counts = jnp.zeros((B, S, M_BLOOM), dtype=jnp.float32)
    bi = jnp.arange(B)[:, None, None]
    si = jnp.arange(S)[None, :, None]
    counts = counts.at[bi, si, Fp].add(1.0)
    # torch.transpose(CountingBloom, 1, 2) -> [B, M, S]
    return jnp.transpose(counts, (0, 2, 1))


def moving_window(floatCounter):
    l, m, s = floatCounter.shape
    blocks = []
    # for idx, i in enumerate(range(W, 0, -1)): moving[:, idx*m:(idx+1)*m, i:] = fc[:, :, :s-i]
    for idx, i in enumerate(range(W_WIN, 0, -1)):
        z = jnp.zeros((l, m, i), dtype=floatCounter.dtype)
        blocks.append(jnp.concatenate([z, floatCounter[:, :, : s - i]], axis=2))
    # for i in range(W+1): moving[:, (i+W)*m:(i+W+1)*m, :s-i] = fc[:, :, i:]
    for i in range(W_WIN + 1):
        if i == 0:
            blocks.append(floatCounter)
        else:
            z = jnp.zeros((l, m, i), dtype=floatCounter.dtype)
            blocks.append(jnp.concatenate([floatCounter[:, :, i:], z], axis=2))
    return jnp.concatenate(blocks, axis=1)  # [B, (2W+1)*M, S]


def reference(minhashes):
    floatCounter = counting_bloom_filter(minhashes)
    return moving_window(floatCounter)

if __name__ == "__main__":
    import jax
    _d = setup_inputs()
    print(jax.jit(kernel)(*tuple(_d.values())))

</pallas_src>

<mosaic_0001>
#map = affine_map<(d0, d1) -> (0, 0, 0)>
module attributes {stable_mosaic.version = 14 : i64} {
  func.func @_hist_body(%arg0: i32, %arg1: i32, %arg2: memref<16x128x64xi32, #tpu.memory_space<hbm>>, %arg3: memref<16x1024x128xf32, #tpu.memory_space<hbm>>, %arg4: memref<64x64xi32, #tpu.memory_space<vmem>>, %arg5: memref<1024x64xf32, #tpu.memory_space<vmem>>, %arg6: memref<!tpu.dma_semaphore, #tpu.memory_space<semaphore_mem>>) attributes {dimension_semantics = [#tpu.dimension_semantics<core_parallel>, #tpu.dimension_semantics<subcore_parallel>], iteration_bounds = array<i64: 2, 16>, scalar_prefetch = 0 : i64, scratch_operands = 3 : i64, tpu.core_type = #tpu.core_type<sc_vector_subcore>, window_params = [{transform_indices = #map}, {transform_indices = #map}]} {
    %mul3A = arith.constant 2 : i32
    %mul3A_0 = arith.muli %arg1, %mul3A : i32
    %add3A = arith.addi %mul3A_0, %arg0 : i32
    %jit3A = arith.constant 2 : i32
    %div3A = arith.divsi %add3A, %jit3A : i32
    %sign3A = arith.constant 0 : i32
    %sign3A_1 = arith.cmpi sgt, %add3A, %sign3A : i32
    %sign3A_2 = arith.extui %sign3A_1 : i1 to i32
    %sign3A_3 = arith.constant 0 : i32
    %sign3A_4 = arith.cmpi slt, %add3A, %sign3A_3 : i32
    %sign3A_5 = arith.extui %sign3A_4 : i1 to i32
    %sign3A_6 = arith.subi %sign3A_2, %sign3A_5 : i32
    %sign3A_7 = arith.constant 0 : i32
    %sign3A_8 = arith.cmpi sgt, %jit3A, %sign3A_7 : i32
    %sign3A_9 = arith.extui %sign3A_8 : i1 to i32
    %sign3A_10 = arith.constant 0 : i32
    %sign3A_11 = arith.cmpi slt, %jit3A, %sign3A_10 : i32
    %sign3A_12 = arith.extui %sign3A_11 : i1 to i32
    %sign3A_13 = arith.subi %sign3A_9, %sign3A_12 : i32
    %ne3A = arith.cmpi ne, %sign3A_6, %sign3A_13 : i32
    %rem3A = arith.remsi %add3A, %jit3A : i32
    %ne3A_14 = arith.constant 0 : i32
    %ne3A_15 = arith.cmpi ne, %rem3A, %ne3A_14 : i32
    %and3A = arith.andi %ne3A, %ne3A_15 : i1
    %sub3A = arith.constant 1 : i32
    %sub3A_16 = arith.subi %div3A, %sub3A : i32
    %select_n3A = arith.select %and3A, %sub3A_16, %div3A : i32
    %jit3A_17 = arith.constant 2 : i32
    %eq3A = arith.constant 0 : i32
    %eq3A_18 = arith.cmpi eq, %jit3A_17, %eq3A : i32
    %jit3A_19 = arith.constant 1 : i32
    %select_n3A_20 = arith.select %eq3A_18, %jit3A_19, %jit3A_17 : i32
    %rem3A_21 = arith.remsi %add3A, %select_n3A_20 : i32
    %ne3A_22 = arith.constant 0 : i32
    %ne3A_23 = arith.cmpi ne, %rem3A_21, %ne3A_22 : i32
    %lt3A = arith.constant 0 : i32
    %lt3A_24 = arith.cmpi slt, %rem3A_21, %lt3A : i32
    %lt3A_25 = arith.constant 0 : i32
    %lt3A_26 = arith.cmpi slt, %select_n3A_20, %lt3A_25 : i32
    %ne3A_27 = arith.xori %lt3A_24, %lt3A_26 : i1
    %and3A_28 = arith.andi %ne3A_27, %ne3A_23 : i1
    %add3A_29 = arith.addi %rem3A_21, %select_n3A_20 : i32
    %select_n3A_30 = arith.select %and3A_28, %add3A_29, %rem3A_21 : i32
    %mul3A_31 = arith.constant 64 : i32
    %mul3A_32 = arith.muli %select_n3A_30, %mul3A_31 : i32
    %dma_start3A = arith.constant 0 : i32
    %dma_start3A_33 = tpu.memref_slice %arg2[%select_n3A, %mul3A_32, %dma_start3A] : memref<16x128x64xi32, #tpu.memory_space<hbm>> -> memref<1x64x64xi32, #tpu.memory_space<hbm>>
    %dma_start3A_34 = tpu.memref_squeeze %dma_start3A_33 : memref<1x64x64xi32, #tpu.memory_space<hbm>> -> memref<64x64xi32, #tpu.memory_space<hbm>>
    %dma_start3A_35 = arith.constant 0 : i32
    %dma_start3A_36 = tpu.memref_slice %arg2[%select_n3A, %mul3A_32, %dma_start3A_35] : memref<16x128x64xi32, #tpu.memory_space<hbm>> -> memref<1x64x64xi32, #tpu.memory_space<hbm>>
    %dma_start3A_37 = tpu.memref_squeeze %dma_start3A_36 : memref<1x64x64xi32, #tpu.memory_space<hbm>> -> memref<64x64xi32, #tpu.memory_space<hbm>>
    tpu.enqueue_dma source(%dma_start3A_37 : memref<64x64xi32, #tpu.memory_space<hbm>>) target(%arg4 : memref<64x64xi32, #tpu.memory_space<vmem>>) target_semaphore(%arg6 : memref<!tpu.dma_semaphore, #tpu.memory_space<semaphore_mem>>)
    %broadcast_in_dim3A = arith.constant 0.000000e+00 : f32
    %broadcast_in_dim3A_38 = vector.broadcast %broadcast_in_dim3A : f32 to vector<16xf32>
    %scan3A = arith.constant 0 : i32
    %scan3A_39 = arith.constant 0 : i32
    %scan3A_40 = arith.constant 1024 : i32
    %scan3A_41 = arith.addi %scan3A_39, %scan3A_40 : i32
    %scan3A_42 = arith.constant 1 : i32
    %scan3A_43 = scf.for %scan3A_59 = %scan3A_39 to %scan3A_41 step %scan3A_42 iter_args(%scan3A_60 = %scan3A) -> (i32)  : i32 {
      %swap3A = arith.index_cast %scan3A_59 : i32 to index
      %swap3A_61 = arith.constant 0 : index
      %swap3A_62 = tpu.vector_load %arg5[%swap3A, %swap3A_61] {strides = array<i32>} : memref<1024x64xf32, #tpu.memory_space<vmem>>, vector<16xf32>,
      tpu.vector_store %arg5[%swap3A, %swap3A_61], %broadcast_in_dim3A_38 {strides = array<i32>} : memref<1024x64xf32, #tpu.memory_space<vmem>>, vector<16xf32>,
      %swap3A_63 = arith.index_cast %scan3A_59 : i32 to index
      %swap3A_64 = arith.constant 16 : index
      %swap3A_65 = tpu.vector_load %arg5[%swap3A_63, %swap3A_64] {strides = array<i32>} : memref<1024x64xf32, #tpu.memory_space<vmem>>, vector<16xf32>,
      tpu.vector_store %arg5[%swap3A_63, %swap3A_64], %broadcast_in_dim3A_38 {strides = array<i32>} : memref<1024x64xf32, #tpu.memory_space<vmem>>, vector<16xf32>,
      %swap3A_66 = arith.index_cast %scan3A_59 : i32 to index
      %swap3A_67 = arith.constant 32 : index
      %swap3A_68 = tpu.vector_load %arg5[%swap3A_66, %swap3A_67] {strides = array<i32>} : memref<1024x64xf32, #tpu.memory_space<vmem>>, vector<16xf32>,
      tpu.vector_store %arg5[%swap3A_66, %swap3A_67], %broadcast_in_dim3A_38 {strides = array<i32>} : memref<1024x64xf32, #tpu.memory_space<vmem>>, vector<16xf32>,
      %swap3A_69 = arith.index_cast %scan3A_59 : i32 to index
      %swap3A_70 = arith.constant 48 : index
      %swap3A_71 = tpu.vector_load %arg5[%swap3A_69, %swap3A_70] {strides = array<i32>} : memref<1024x64xf32, #tpu.memory_space<vmem>>, vector<16xf32>,
      tpu.vector_store %arg5[%swap3A_69, %swap3A_70], %broadcast_in_dim3A_38 {strides = array<i32>} : memref<1024x64xf32, #tpu.memory_space<vmem>>, vector<16xf32>,
      %scan3A_72 = arith.constant 0 : i32
      scf.yield %scan3A_72 : i32
    }
    %scan3A_44 = arith.constant 1024 : i32
    %dma_wait3A = arith.constant 0 : i32
    %dma_wait3A_45 = tpu.memref_slice %arg2[%select_n3A, %mul3A_32, %dma_wait3A] : memref<16x128x64xi32, #tpu.memory_space<hbm>> -> memref<1x64x64xi32, #tpu.memory_space<hbm>>
    %dma_wait3A_46 = tpu.memref_squeeze %dma_wait3A_45 : memref<1x64x64xi32, #tpu.memory_space<hbm>> -> memref<64x64xi32, #tpu.memory_space<hbm>>
    %dma_wait3A_47 = arith.constant 0 : i32
    %dma_wait3A_48 = tpu.memref_slice %arg2[%select_n3A, %mul3A_32, %dma_wait3A_47] : memref<16x128x64xi32, #tpu.memory_space<hbm>> -> memref<1x64x64xi32, #tpu.memory_space<hbm>>
    %dma_wait3A_49 = tpu.memref_squeeze %dma_wait3A_48 : memref<1x64x64xi32, #tpu.memory_space<hbm>> -> memref<64x64xi32, #tpu.memory_space<hbm>>
    tpu.wait_dma2 semaphore(%arg6 : memref<!tpu.dma_semaphore, #tpu.memory_space<semaphore_mem>>) src(%dma_wait3A_49 : memref<64x64xi32, #tpu.memory_space<hbm>>) dst(%arg4 : memref<64x64xi32, #tpu.memory_space<vmem>>)
    %iota3A = tpu.iota {dimensions = array<i32: 0>} : vector<16xi32>
    %broadcast_in_dim3A_50 = arith.constant 1.000000e+00 : f32
    %broadcast_in_dim3A_51 = vector.broadcast %broadcast_in_dim3A_50 : f32 to vector<16xf32>
    %scan3A_52 = arith.constant 0 : i32
    %scan3A_53 = arith.constant 0 : i32
    %scan3A_54 = arith.constant 256 : i32
    %scan3A_55 = arith.addi %scan3A_53, %scan3A_54 : i32
    %scan3A_56 = arith.constant 1 : i32
    %scan3A_57 = scf.for %scan3A_59 = %scan3A_53 to %scan3A_55 step %scan3A_56 iter_args(%scan3A_60 = %scan3A_52) -> (i32)  : i32 {
      %jit3A_61 = arith.constant 4 : i32
      %div3A_62 = arith.divsi %scan3A_59, %jit3A_61 : i32
      %sign3A_63 = arith.constant 0 : i32
      %sign3A_64 = arith.cmpi sgt, %scan3A_59, %sign3A_63 : i32
      %sign3A_65 = arith.extui %sign3A_64 : i1 to i32
      %sign3A_66 = arith.constant 0 : i32
      %sign3A_67 = arith.cmpi slt, %scan3A_59, %sign3A_66 : i32
      %sign3A_68 = arith.extui %sign3A_67 : i1 to i32
      %sign3A_69 = arith.subi %sign3A_65, %sign3A_68 : i32
      %sign3A_70 = arith.constant 0 : i32
      %sign3A_71 = arith.cmpi sgt, %jit3A_61, %sign3A_70 : i32
      %sign3A_72 = arith.extui %sign3A_71 : i1 to i32
      %sign3A_73 = arith.constant 0 : i32
      %sign3A_74 = arith.cmpi slt, %jit3A_61, %sign3A_73 : i32
      %sign3A_75 = arith.extui %sign3A_74 : i1 to i32
      %sign3A_76 = arith.subi %sign3A_72, %sign3A_75 : i32
      %ne3A_77 = arith.cmpi ne, %sign3A_69, %sign3A_76 : i32
      %rem3A_78 = arith.remsi %scan3A_59, %jit3A_61 : i32
      %ne3A_79 = arith.constant 0 : i32
      %ne3A_80 = arith.cmpi ne, %rem3A_78, %ne3A_79 : i32
      %and3A_81 = arith.andi %ne3A_77, %ne3A_80 : i1
      %sub3A_82 = arith.constant 1 : i32
      %sub3A_83 = arith.subi %div3A_62, %sub3A_82 : i32
      %select_n3A_84 = arith.select %and3A_81, %sub3A_83, %div3A_62 : i32
      %mul3A_85 = arith.constant 4 : i32
      %mul3A_86 = arith.muli %select_n3A_84, %mul3A_85 : i32
      %sub3A_87 = arith.subi %scan3A_59, %mul3A_86 : i32
      %mul3A_88 = arith.constant 16 : i32
      %mul3A_89 = arith.muli %sub3A_87, %mul3A_88 : i32
      %add3A_90 = vector.broadcast %mul3A_89 : i32 to vector<16xi32>
      %add3A_91 = arith.addi %add3A_90, %iota3A : vector<16xi32>
      %broadcast_in_dim3A_92 = vector.broadcast %select_n3A_84 : i32 to vector<16xi32>
      %gather3A = tpu.vector_load_idx %arg4[%add3A_91, %broadcast_in_dim3A_92] : memref<64x64xi32, #tpu.memory_space<vmem>>[vector<16xi32>, vector<16xi32>], vector<16xi32>,
      %and3A_93 = arith.constant 1023 : i32
      %and3A_94 = vector.broadcast %and3A_93 : i32 to vector<16xi32>
      %and3A_95 = arith.andi %gather3A, %and3A_94 : vector<16xi32>
      tpu.vector_store_idx %arg5[%and3A_95, %add3A_91], %broadcast_in_dim3A_51 {add = true} : memref<1024x64xf32, #tpu.memory_space<vmem>>[vector<16xi32>, vector<16xi32>], vector<16xf32>,
      %scan3A_96 = arith.constant 0 : i32
      scf.yield %scan3A_96 : i32
    }
    %scan3A_58 = arith.constant 256 : i32
    "tpu.region"() ({
      %run_scoped3A = tpu.sem_alloc : memref<!tpu.dma_semaphore, #tpu.memory_space<semaphore_mem>>
      %dma_start3A_59 = arith.constant 0 : i32
      %dma_start3A_60 = tpu.memref_slice %arg3[%select_n3A, %dma_start3A_59, %mul3A_32] : memref<16x1024x128xf32, #tpu.memory_space<hbm>> -> memref<1x1024x64xf32, #tpu.memory_space<hbm>>
      %dma_start3A_61 = tpu.memref_squeeze %dma_start3A_60 : memref<1x1024x64xf32, #tpu.memory_space<hbm>> -> memref<1024x64xf32, #tpu.memory_space<hbm>>
      %dma_start3A_62 = arith.constant 0 : i32
      %dma_start3A_63 = tpu.memref_slice %arg3[%select_n3A, %dma_start3A_62, %mul3A_32] : memref<16x1024x128xf32, #tpu.memory_space<hbm>> -> memref<1x1024x64xf32, #tpu.memory_space<hbm>>
      %dma_start3A_64 = tpu.memref_squeeze %dma_start3A_63 : memref<1x1024x64xf32, #tpu.memory_space<hbm>> -> memref<1024x64xf32, #tpu.memory_space<hbm>>
      tpu.enqueue_dma source(%arg5 : memref<1024x64xf32, #tpu.memory_space<vmem>>) target(%dma_start3A_64 : memref<1024x64xf32, #tpu.memory_space<hbm>>) target_semaphore(%run_scoped3A : memref<!tpu.dma_semaphore, #tpu.memory_space<semaphore_mem>>)
      %dma_wait3A_65 = arith.constant 0 : i32
      %dma_wait3A_66 = tpu.memref_slice %arg3[%select_n3A, %dma_wait3A_65, %mul3A_32] : memref<16x1024x128xf32, #tpu.memory_space<hbm>> -> memref<1x1024x64xf32, #tpu.memory_space<hbm>>
      %dma_wait3A_67 = tpu.memref_squeeze %dma_wait3A_66 : memref<1x1024x64xf32, #tpu.memory_space<hbm>> -> memref<1024x64xf32, #tpu.memory_space<hbm>>
      %dma_wait3A_68 = arith.constant 0 : i32
      %dma_wait3A_69 = tpu.memref_slice %arg3[%select_n3A, %dma_wait3A_68, %mul3A_32] : memref<16x1024x128xf32, #tpu.memory_space<hbm>> -> memref<1x1024x64xf32, #tpu.memory_space<hbm>>
      %dma_wait3A_70 = tpu.memref_squeeze %dma_wait3A_69 : memref<1x1024x64xf32, #tpu.memory_space<hbm>> -> memref<1024x64xf32, #tpu.memory_space<hbm>>
      tpu.wait_dma2 semaphore(%run_scoped3A : memref<!tpu.dma_semaphore, #tpu.memory_space<semaphore_mem>>) src(%arg5 : memref<1024x64xf32, #tpu.memory_space<vmem>>) dst(%dma_wait3A_70 : memref<1024x64xf32, #tpu.memory_space<hbm>>)
      tpu.yield
    }) : () -> ()
    return
  }
}

module attributes {stable_mosaic.version = 14 : i64} {
  func.func @_emit_body(%arg0: i32, %arg1: memref<4x1024x128xf32, #tpu.memory_space<vmem>>, %arg2: memref<4x7168x128xf32, #tpu.memory_space<vmem>>) attributes {dimension_semantics = [#tpu.dimension_semantics<arbitrary>], iteration_bounds = array<i64: 4>, scalar_prefetch = 0 : i64, scratch_operands = 0 : i64, tpu.core_type = #tpu.core_type<tc>, window_params = [{transform_indices = @transform_0, window_bounds = array<i64: 4, 1024, 128>}, {transform_indices = @transform_1, window_bounds = array<i64: 4, 7168, 128>}]} {
    %iota3A = tpu.iota {dimensions = array<i32: 0>} : vector<128x128xi32>
    %iota3A_0 = tpu.iota {dimensions = array<i32: 1>} : vector<128x128xi32>
    %add3A = arith.constant 3 : i32
    %add3A_1 = vector.broadcast %add3A : i32 to vector<128x128xi32>
    %add3A_2 = arith.addi %iota3A, %add3A_1 : vector<128x128xi32>
    %eq3A = arith.cmpi eq, %add3A_2, %iota3A_0 : vector<128x128xi32>
    %convert_element_type3A = arith.extui %eq3A : vector<128x128xi1> to vector<128x128xi32>
    %convert_element_type3A_3 = arith.sitofp %convert_element_type3A : vector<128x128xi32> to vector<128x128xf32>
    %iota3A_4 = tpu.iota {dimensions = array<i32: 0>} : vector<128x128xi32>
    %iota3A_5 = tpu.iota {dimensions = array<i32: 1>} : vector<128x128xi32>
    %add3A_6 = arith.constant 2 : i32
    %add3A_7 = vector.broadcast %add3A_6 : i32 to vector<128x128xi32>
    %add3A_8 = arith.addi %iota3A_4, %add3A_7 : vector<128x128xi32>
    %eq3A_9 = arith.cmpi eq, %add3A_8, %iota3A_5 : vector<128x128xi32>
    %convert_element_type3A_10 = arith.extui %eq3A_9 : vector<128x128xi1> to vector<128x128xi32>
    %convert_element_type3A_11 = arith.sitofp %convert_element_type3A_10 : vector<128x128xi32> to vector<128x128xf32>
    %iota3A_12 = tpu.iota {dimensions = array<i32: 0>} : vector<128x128xi32>
    %iota3A_13 = tpu.iota {dimensions = array<i32: 1>} : vector<128x128xi32>
    %add3A_14 = arith.constant 1 : i32
    %add3A_15 = vector.broadcast %add3A_14 : i32 to vector<128x128xi32>
    %add3A_16 = arith.addi %iota3A_12, %add3A_15 : vector<128x128xi32>
    %eq3A_17 = arith.cmpi eq, %add3A_16, %iota3A_13 : vector<128x128xi32>
    %convert_element_type3A_18 = arith.extui %eq3A_17 : vector<128x128xi1> to vector<128x128xi32>
    %convert_element_type3A_19 = arith.sitofp %convert_element_type3A_18 : vector<128x128xi32> to vector<128x128xf32>
    %iota3A_20 = tpu.iota {dimensions = array<i32: 0>} : vector<128x128xi32>
    %iota3A_21 = tpu.iota {dimensions = array<i32: 1>} : vector<128x128xi32>
    %add3A_22 = arith.constant -1 : i32
    %add3A_23 = vector.broadcast %add3A_22 : i32 to vector<128x128xi32>
    %add3A_24 = arith.addi %iota3A_20, %add3A_23 : vector<128x128xi32>
    %eq3A_25 = arith.cmpi eq, %add3A_24, %iota3A_21 : vector<128x128xi32>
    %convert_element_type3A_26 = arith.extui %eq3A_25 : vector<128x128xi1> to vector<128x128xi32>
    %convert_element_type3A_27 = arith.sitofp %convert_element_type3A_26 : vector<128x128xi32> to vector<128x128xf32>
    %iota3A_28 = tpu.iota {dimensions = array<i32: 0>} : vector<128x128xi32>
    %iota3A_29 = tpu.iota {dimensions = array<i32: 1>} : vector<128x128xi32>
    %add3A_30 = arith.constant -2 : i32
    %add3A_31 = vector.broadcast %add3A_30 : i32 to vector<128x128xi32>
    %add3A_32 = arith.addi %iota3A_28, %add3A_31 : vector<128x128xi32>
    %eq3A_33 = arith.cmpi eq, %add3A_32, %iota3A_29 : vector<128x128xi32>
    %convert_element_type3A_34 = arith.extui %eq3A_33 : vector<128x128xi1> to vector<128x128xi32>
    %convert_element_type3A_35 = arith.sitofp %convert_element_type3A_34 : vector<128x128xi32> to vector<128x128xf32>
    %iota3A_36 = tpu.iota {dimensions = array<i32: 0>} : vector<128x128xi32>
    %iota3A_37 = tpu.iota {dimensions = array<i32: 1>} : vector<128x128xi32>
    %add3A_38 = arith.constant -3 : i32
    %add3A_39 = vector.broadcast %add3A_38 : i32 to vector<128x128xi32>
    %add3A_40 = arith.addi %iota3A_36, %add3A_39 : vector<128x128xi32>
    %eq3A_41 = arith.cmpi eq, %add3A_40, %iota3A_37 : vector<128x128xi32>
    %convert_element_type3A_42 = arith.extui %eq3A_41 : vector<128x128xi1> to vector<128x128xi32>
    %convert_element_type3A_43 = arith.sitofp %convert_element_type3A_42 : vector<128x128xi32> to vector<128x128xf32>
    %concatenate3A = tpu.concatenate %convert_element_type3A_3, %convert_element_type3A_11, %convert_element_type3A_19, %convert_element_type3A_27, %convert_element_type3A_35, %convert_element_type3A_43 in 1 : vector<128x128xf32>, vector<128x128xf32>, vector<128x128xf32>, vector<128x128xf32>, vector<128x128xf32>, vector<128x128xf32> -> vector<128x768xf32>
    %get3A = arith.constant 0 : index
    %get3A_44 = arith.constant 0 : index
    %get3A_45 = arith.constant 0 : index
    %get3A_46 = vector.load %arg1[%get3A, %get3A_44, %get3A_45] : memref<4x1024x128xf32, #tpu.memory_space<vmem>>, vector<1x1024x128xf32>
    %get3A_47 = vector.shape_cast %get3A_46 : vector<1x1024x128xf32> to vector<1024x128xf32>
    %dot_general3A = arith.constant dense<0.000000e+00> : vector<1024x768xf32>
    %dot_general3A_48 = tpu.matmul %get3A_47, %concatenate3A, %dot_general3A {dimension_numbers = #tpu.dot_dimension_numbers<[1], [0], [0], [1], [0, 0, 1, 1], [], []>, transpose_lhs_hint = false} : vector<1024x128xf32>, vector<128x768xf32>, vector<1024x768xf32> -> vector<1024x768xf32>
    %slice3A = vector.extract_strided_slice %dot_general3A_48 {offsets = [0, 0], sizes = [1024, 128], strides = [1, 1]} : vector<1024x768xf32> to vector<1024x128xf32>
    %swap3A = arith.constant 0 : index
    %swap3A_49 = arith.constant 0 : index
    %swap3A_50 = arith.constant 0 : index
    %swap3A_51 = vector.load %arg2[%swap3A, %swap3A_49, %swap3A_50] : memref<4x7168x128xf32, #tpu.memory_space<vmem>>, vector<1x1024x128xf32>
    %swap3A_52 = vector.shape_cast %swap3A_51 : vector<1x1024x128xf32> to vector<1024x128xf32>
    %swap3A_53 = vector.shape_cast %slice3A : vector<1024x128xf32> to vector<1x1024x128xf32>
    tpu.vector_store %arg2[%swap3A, %swap3A_49, %swap3A_50], %swap3A_53 {strides = array<i32>} : memref<4x7168x128xf32, #tpu.memory_space<vmem>>, vector<1x1024x128xf32>,
    %slice3A_54 = vector.extract_strided_slice %dot_general3A_48 {offsets = [0, 128], sizes = [1024, 128], strides = [1, 1]} : vector<1024x768xf32> to vector<1024x128xf32>
    %swap3A_55 = arith.constant 0 : index
    %swap3A_56 = arith.constant 1024 : index
    %swap3A_57 = arith.constant 0 : index
    %swap3A_58 = vector.load %arg2[%swap3A_55, %swap3A_56, %swap3A_57] : memref<4x7168x128xf32, #tpu.memory_space<vmem>>, vector<1x1024x128xf32>
    %swap3A_59 = vector.shape_cast %swap3A_58 : vector<1x1024x128xf32> to vector<1024x128xf32>
    %swap3A_60 = vector.shape_cast %slice3A_54 : vector<1024x128xf32> to vector<1x1024x128xf32>
    tpu.vector_store %arg2[%swap3A_55, %swap3A_56, %swap3A_57], %swap3A_60 {strides = array<i32>} : memref<4x7168x128xf32, #tpu.memory_space<vmem>>, vector<1x1024x128xf32>,
    %slice3A_61 = vector.extract_strided_slice %dot_general3A_48 {offsets = [0, 256], sizes = [1024, 128], strides = [1, 1]} : vector<1024x768xf32> to vector<1024x128xf32>
    %swap3A_62 = arith.constant 0 : index
    %swap3A_63 = arith.constant 2048 : index
    %swap3A_64 = arith.constant 0 : index
    %swap3A_65 = vector.load %arg2[%swap3A_62, %swap3A_63, %swap3A_64] : memref<4x7168x128xf32, #tpu.memory_space<vmem>>, vector<1x1024x128xf32>
    %swap3A_66 = vector.shape_cast %swap3A_65 : vector<1x1024x128xf32> to vector<1024x128xf32>
    %swap3A_67 = vector.shape_cast %slice3A_61 : vector<1024x128xf32> to vector<1x1024x128xf32>
    tpu.vector_store %arg2[%swap3A_62, %swap3A_63, %swap3A_64], %swap3A_67 {strides = array<i32>} : memref<4x7168x128xf32, #tpu.memory_space<vmem>>, vector<1x1024x128xf32>,
    %swap3A_68 = arith.constant 0 : index
    %swap3A_69 = arith.constant 3072 : index
    %swap3A_70 = arith.constant 0 : index
    %swap3A_71 = vector.load %arg2[%swap3A_68, %swap3A_69, %swap3A_70] : memref<4x7168x128xf32, #tpu.memory_space<vmem>>, vector<1x1024x128xf32>
    %swap3A_72 = vector.shape_cast %swap3A_71 : vector<1x1024x128xf32> to vector<1024x128xf32>
    %swap3A_73 = vector.shape_cast %get3A_47 : vector<1024x128xf32> to vector<1x1024x128xf32>
    tpu.vector_store %arg2[%swap3A_68, %swap3A_69, %swap3A_70], %swap3A_73 {strides = array<i32>} : memref<4x7168x128xf32, #tpu.memory_space<vmem>>, vector<1x1024x128xf32>,
    %slice3A_74 = vector.extract_strided_slice %dot_general3A_48 {offsets = [0, 384], sizes = [1024, 128], strides = [1, 1]} : vector<1024x768xf32> to vector<1024x128xf32>
    %swap3A_75 = arith.constant 0 : index
    %swap3A_76 = arith.constant 4096 : index
    %swap3A_77 = arith.constant 0 : index
    %swap3A_78 = vector.load %arg2[%swap3A_75, %swap3A_76, %swap3A_77] : memref<4x7168x128xf32, #tpu.memory_space<vmem>>, vector<1x1024x128xf32>
    %swap3A_79 = vector.shape_cast %swap3A_78 : vector<1x1024x128xf32> to vector<1024x128xf32>
    %swap3A_80 = vector.shape_cast %slice3A_74 : vector<1024x128xf32> to vector<1x1024x128xf32>
    tpu.vector_store %arg2[%swap3A_75, %swap3A_76, %swap3A_77], %swap3A_80 {strides = array<i32>} : memref<4x7168x128xf32, #tpu.memory_space<vmem>>, vector<1x1024x128xf32>,
    %slice3A_81 = vector.extract_strided_slice %dot_general3A_48 {offsets = [0, 512], sizes = [1024, 128], strides = [1, 1]} : vector<1024x768xf32> to vector<1024x128xf32>
    %swap3A_82 = arith.constant 0 : index
    %swap3A_83 = arith.constant 5120 : index
    %swap3A_84 = arith.constant 0 : index
    %swap3A_85 = vector.load %arg2[%swap3A_82, %swap3A_83, %swap3A_84] : memref<4x7168x128xf32, #tpu.memory_space<vmem>>, vector<1x1024x128xf32>
    %swap3A_86 = vector.shape_cast %swap3A_85 : vector<1x1024x128xf32> to vector<1024x128xf32>
    %swap3A_87 = vector.shape_cast %slice3A_81 : vector<1024x128xf32> to vector<1x1024x128xf32>
    tpu.vector_store %arg2[%swap3A_82, %swap3A_83, %swap3A_84], %swap3A_87 {strides = array<i32>} : memref<4x7168x128xf32, #tpu.memory_space<vmem>>, vector<1x1024x128xf32>,
    %slice3A_88 = vector.extract_strided_slice %dot_general3A_48 {offsets = [0, 640], sizes = [1024, 128], strides = [1, 1]} : vector<1024x768xf32> to vector<1024x128xf32>
    %swap3A_89 = arith.constant 0 : index
    %swap3A_90 = arith.constant 6144 : index
    %swap3A_91 = arith.constant 0 : index
    %swap3A_92 = vector.load %arg2[%swap3A_89, %swap3A_90, %swap3A_91] : memref<4x7168x128xf32, #tpu.memory_space<vmem>>, vector<1x1024x128xf32>
    %swap3A_93 = vector.shape_cast %swap3A_92 : vector<1x1024x128xf32> to vector<1024x128xf32>
    %swap3A_94 = vector.shape_cast %slice3A_88 : vector<1024x128xf32> to vector<1x1024x128xf32>
    tpu.vector_store %arg2[%swap3A_89, %swap3A_90, %swap3A_91], %swap3A_94 {strides = array<i32>} : memref<4x7168x128xf32, #tpu.memory_space<vmem>>, vector<1x1024x128xf32>,
    %get3A_95 = arith.constant 1 : index
    %get3A_96 = arith.constant 0 : index
    %get3A_97 = arith.constant 0 : index
    %get3A_98 = vector.load %arg1[%get3A_95, %get3A_96, %get3A_97] : memref<4x1024x128xf32, #tpu.memory_space<vmem>>, vector<1x1024x128xf32>
    %get3A_99 = vector.shape_cast %get3A_98 : vector<1x1024x128xf32> to vector<1024x128xf32>
    %dot_general3A_100 = arith.constant dense<0.000000e+00> : vector<1024x768xf32>
    %dot_general3A_101 = tpu.matmul %get3A_99, %concatenate3A, %dot_general3A_100 {dimension_numbers = #tpu.dot_dimension_numbers<[1], [0], [0], [1], [0, 0, 1, 1], [], []>, transpose_lhs_hint = false} : vector<1024x128xf32>, vector<128x768xf32>, vector<1024x768xf32> -> vector<1024x768xf32>
    %slice3A_102 = vector.extract_strided_slice %dot_general3A_101 {offsets = [0, 0], sizes = [1024, 128], strides = [1, 1]} : vector<1024x768xf32> to vector<1024x128xf32>
    %swap3A_103 = arith.constant 1 : index
    %swap3A_104 = arith.constant 0 : index
    %swap3A_105 = arith.constant 0 : index
    %swap3A_106 = vector.load %arg2[%swap3A_103, %swap3A_104, %swap3A_105] : memref<4x7168x128xf32, #tpu.memory_space<vmem>>, vector<1x1024x128xf32>
    %swap3A_107 = vector.shape_cast %swap3A_106 : vector<1x1024x128xf32> to vector<1024x128xf32>
    %swap3A_108 = vector.shape_cast %slice3A_102 : vector<1024x128xf32> to vector<1x1024x128xf32>
    tpu.vector_store %arg2[%swap3A_103, %swap3A_104, %swap3A_105], %swap3A_108 {strides = array<i32>} : memref<4x7168x128xf32, #tpu.memory_space<vmem>>, vector<1x1024x128xf32>,
    %slice3A_109 = vector.extract_strided_slice %dot_general3A_101 {offsets = [0, 128], sizes = [1024, 128], strides = [1, 1]} : vector<1024x768xf32> to vector<1024x128xf32>
    %swap3A_110 = arith.constant 1 : index
    %swap3A_111 = arith.constant 1024 : index
    %swap3A_112 = arith.constant 0 : index
    %swap3A_113 = vector.load %arg2[%swap3A_110, %swap3A_111, %swap3A_112] : memref<4x7168x128xf32, #tpu.memory_space<vmem>>, vector<1x1024x128xf32>
    %swap3A_114 = vector.shape_cast %swap3A_113 : vector<1x1024x128xf32> to vector<1024x128xf32>
    %swap3A_115 = vector.shape_cast %slice3A_109 : vector<1024x128xf32> to vector<1x1024x128xf32>
    tpu.vector_store %arg2[%swap3A_110, %swap3A_111, %swap3A_112], %swap3A_115 {strides = array<i32>} : memref<4x7168x128xf32, #tpu.memory_space<vmem>>, vector<1x1024x128xf32>,
    %slice3A_116 = vector.extract_strided_slice %dot_general3A_101 {offsets = [0, 256], sizes = [1024, 128], strides = [1, 1]} : vector<1024x768xf32> to vector<1024x128xf32>
    %swap3A_117 = arith.constant 1 : index
    %swap3A_118 = arith.constant 2048 : index
    %swap3A_119 = arith.constant 0 : index
    %swap3A_120 = vector.load %arg2[%swap3A_117, %swap3A_118, %swap3A_119] : memref<4x7168x128xf32, #tpu.memory_space<vmem>>, vector<1x1024x128xf32>
    %swap3A_121 = vector.shape_cast %swap3A_120 : vector<1x1024x128xf32> to vector<1024x128xf32>
    %swap3A_122 = vector.shape_cast %slice3A_116 : vector<1024x128xf32> to vector<1x1024x128xf32>
    tpu.vector_store %arg2[%swap3A_117, %swap3A_118, %swap3A_119], %swap3A_122 {strides = array<i32>} : memref<4x7168x128xf32, #tpu.memory_space<vmem>>, vector<1x1024x128xf32>,
    %swap3A_123 = arith.constant 1 : index
    %swap3A_124 = arith.constant 3072 : index
    %swap3A_125 = arith.constant 0 : index
    %swap3A_126 = vector.load %arg2[%swap3A_123, %swap3A_124, %swap3A_125] : memref<4x7168x128xf32, #tpu.memory_space<vmem>>, vector<1x1024x128xf32>
    %swap3A_127 = vector.shape_cast %swap3A_126 : vector<1x1024x128xf32> to vector<1024x128xf32>
    %swap3A_128 = vector.shape_cast %get3A_99 : vector<1024x128xf32> to vector<1x1024x128xf32>
    tpu.vector_store %arg2[%swap3A_123, %swap3A_124, %swap3A_125], %swap3A_128 {strides = array<i32>} : memref<4x7168x128xf32, #tpu.memory_space<vmem>>, vector<1x1024x128xf32>,
    %slice3A_129 = vector.extract_strided_slice %dot_general3A_101 {offsets = [0, 384], sizes = [1024, 128], strides = [1, 1]} : vector<1024x768xf32> to vector<1024x128xf32>
    %swap3A_130 = arith.constant 1 : index
    %swap3A_131 = arith.constant 4096 : index
    %swap3A_132 = arith.constant 0 : index
    %swap3A_133 = vector.load %arg2[%swap3A_130, %swap3A_131, %swap3A_132] : memref<4x7168x128xf32, #tpu.memory_space<vmem>>, vector<1x1024x128xf32>
    %swap3A_134 = vector.shape_cast %swap3A_133 : vector<1x1024x128xf32> to vector<1024x128xf32>
    %swap3A_135 = vector.shape_cast %slice3A_129 : vector<1024x128xf32> to vector<1x1024x128xf32>
    tpu.vector_store %arg2[%swap3A_130, %swap3A_131, %swap3A_132], %swap3A_135 {strides = array<i32>} : memref<4x7168x128xf32, #tpu.memory_space<vmem>>, vector<1x1024x128xf32>,
    %slice3A_136 = vector.extract_strided_slice %dot_general3A_101 {offsets = [0, 512], sizes = [1024, 128], strides = [1, 1]} : vector<1024x768xf32> to vector<1024x128xf32>
    %swap3A_137 = arith.constant 1 : index
    %swap3A_138 = arith.constant 5120 : index
    %swap3A_139 = arith.constant 0 : index
    %swap3A_140 = vector.load %arg2[%swap3A_137, %swap3A_138, %swap3A_139] : memref<4x7168x128xf32, #tpu.memory_space<vmem>>, vector<1x1024x128xf32>
    %swap3A_141 = vector.shape_cast %swap3A_140 : vector<1x1024x128xf32> to vector<1024x128xf32>
    %swap3A_142 = vector.shape_cast %slice3A_136 : vector<1024x128xf32> to vector<1x1024x128xf32>
    tpu.vector_store %arg2[%swap3A_137, %swap3A_138, %swap3A_139], %swap3A_142 {strides = array<i32>} : memref<4x7168x128xf32, #tpu.memory_space<vmem>>, vector<1x1024x128xf32>,
    %slice3A_143 = vector.extract_strided_slice %dot_general3A_101 {offsets = [0, 640], sizes = [1024, 128], strides = [1, 1]} : vector<1024x768xf32> to vector<1024x128xf32>
    %swap3A_144 = arith.constant 1 : index
    %swap3A_145 = arith.constant 6144 : index
    %swap3A_146 = arith.constant 0 : index
    %swap3A_147 = vector.load %arg2[%swap3A_144, %swap3A_145, %swap3A_146] : memref<4x7168x128xf32, #tpu.memory_space<vmem>>, vector<1x1024x128xf32>
    %swap3A_148 = vector.shape_cast %swap3A_147 : vector<1x1024x128xf32> to vector<1024x128xf32>
    %swap3A_149 = vector.shape_cast %slice3A_143 : vector<1024x128xf32> to vector<1x1024x128xf32>
    tpu.vector_store %arg2[%swap3A_144, %swap3A_145, %swap3A_146], %swap3A_149 {strides = array<i32>} : memref<4x7168x128xf32, #tpu.memory_space<vmem>>, vector<1x1024x128xf32>,
    %get3A_150 = arith.constant 2 : index
    %get3A_151 = arith.constant 0 : index
    %get3A_152 = arith.constant 0 : index
    %get3A_153 = vector.load %arg1[%get3A_150, %get3A_151, %get3A_152] : memref<4x1024x128xf32, #tpu.memory_space<vmem>>, vector<1x1024x128xf32>
    %get3A_154 = vector.shape_cast %get3A_153 : vector<1x1024x128xf32> to vector<1024x128xf32>
    %dot_general3A_155 = arith.constant dense<0.000000e+00> : vector<1024x768xf32>
    %dot_general3A_156 = tpu.matmul %get3A_154, %concatenate3A, %dot_general3A_155 {dimension_numbers = #tpu.dot_dimension_numbers<[1], [0], [0], [1], [0, 0, 1, 1], [], []>, transpose_lhs_hint = false} : vector<1024x128xf32>, vector<128x768xf32>, vector<1024x768xf32> -> vector<1024x768xf32>
    %slice3A_157 = vector.extract_strided_slice %dot_general3A_156 {offsets = [0, 0], sizes = [1024, 128], strides = [1, 1]} : vector<1024x768xf32> to vector<1024x128xf32>
    %swap3A_158 = arith.constant 2 : index
    %swap3A_159 = arith.constant 0 : index
    %swap3A_160 = arith.constant 0 : index
    %swap3A_161 = vector.load %arg2[%swap3A_158, %swap3A_159, %swap3A_160] : memref<4x7168x128xf32, #tpu.memory_space<vmem>>, vector<1x1024x128xf32>
    %swap3A_162 = vector.shape_cast %swap3A_161 : vector<1x1024x128xf32> to vector<1024x128xf32>
    %swap3A_163 = vector.shape_cast %slice3A_157 : vector<1024x128xf32> to vector<1x1024x128xf32>
    tpu.vector_store %arg2[%swap3A_158, %swap3A_159, %swap3A_160], %swap3A_163 {strides = array<i32>} : memref<4x7168x128xf32, #tpu.memory_space<vmem>>, vector<1x1024x128xf32>,
    %slice3A_164 = vector.extract_strided_slice %dot_general3A_156 {offsets = [0, 128], sizes = [1024, 128], strides = [1, 1]} : vector<1024x768xf32> to vector<1024x128xf32>
    %swap3A_165 = arith.constant 2 : index
    %swap3A_166 = arith.constant 1024 : index
    %swap3A_167 = arith.constant 0 : index
    %swap3A_168 = vector.load %arg2[%swap3A_165, %swap3A_166, %swap3A_167] : memref<4x7168x128xf32, #tpu.memory_space<vmem>>, vector<1x1024x128xf32>
    %swap3A_169 = vector.shape_cast %swap3A_168 : vector<1x1024x128xf32> to vector<1024x128xf32>
    %swap3A_170 = vector.shape_cast %slice3A_164 : vector<1024x128xf32> to vector<1x1024x128xf32>
    tpu.vector_store %arg2[%swap3A_165, %swap3A_166, %swap3A_167], %swap3A_170 {strides = array<i32>} : memref<4x7168x128xf32, #tpu.memory_space<vmem>>, vector<1x1024x128xf32>,
    %slice3A_171 = vector.extract_strided_slice %dot_general3A_156 {offsets = [0, 256], sizes = [1024, 128], strides = [1, 1]} : vector<1024x768xf32> to vector<1024x128xf32>
    %swap3A_172 = arith.constant 2 : index
    %swap3A_173 = arith.constant 2048 : index
    %swap3A_174 = arith.constant 0 : index
    %swap3A_175 = vector.load %arg2[%swap3A_172, %swap3A_173, %swap3A_174] : memref<4x7168x128xf32, #tpu.memory_space<vmem>>, vector<1x1024x128xf32>
    %swap3A_176 = vector.shape_cast %swap3A_175 : vector<1x1024x128xf32> to vector<1024x128xf32>
    %swap3A_177 = vector.shape_cast %slice3A_171 : vector<1024x128xf32> to vector<1x1024x128xf32>
    tpu.vector_store %arg2[%swap3A_172, %swap3A_173, %swap3A_174], %swap3A_177 {strides = array<i32>} : memref<4x7168x128xf32, #tpu.memory_space<vmem>>, vector<1x1024x128xf32>,
    %swap3A_178 = arith.constant 2 : index
    %swap3A_179 = arith.constant 3072 : index
    %swap3A_180 = arith.constant 0 : index
    %swap3A_181 = vector.load %arg2[%swap3A_178, %swap3A_179, %swap3A_180] : memref<4x7168x128xf32, #tpu.memory_space<vmem>>, vector<1x1024x128xf32>
    %swap3A_182 = vector.shape_cast %swap3A_181 : vector<1x1024x128xf32> to vector<1024x128xf32>
    %swap3A_183 = vector.shape_cast %get3A_154 : vector<1024x128xf32> to vector<1x1024x128xf32>
    tpu.vector_store %arg2[%swap3A_178, %swap3A_179, %swap3A_180], %swap3A_183 {strides = array<i32>} : memref<4x7168x128xf32, #tpu.memory_space<vmem>>, vector<1x1024x128xf32>,
    %slice3A_184 = vector.extract_strided_slice %dot_general3A_156 {offsets = [0, 384], sizes = [1024, 128], strides = [1, 1]} : vector<1024x768xf32> to vector<1024x128xf32>
    %swap3A_185 = arith.constant 2 : index
    %swap3A_186 = arith.constant 4096 : index
    %swap3A_187 = arith.constant 0 : index
    %swap3A_188 = vector.load %arg2[%swap3A_185, %swap3A_186, %swap3A_187] : memref<4x7168x128xf32, #tpu.memory_space<vmem>>, vector<1x1024x128xf32>
    %swap3A_189 = vector.shape_cast %swap3A_188 : vector<1x1024x128xf32> to vector<1024x128xf32>
    %swap3A_190 = vector.shape_cast %slice3A_184 : vector<1024x128xf32> to vector<1x1024x128xf32>
    tpu.vector_store %arg2[%swap3A_185, %swap3A_186, %swap3A_187], %swap3A_190 {strides = array<i32>} : memref<4x7168x128xf32, #tpu.memory_space<vmem>>, vector<1x1024x128xf32>,
    %slice3A_191 = vector.extract_strided_slice %dot_general3A_156 {offsets = [0, 512], sizes = [1024, 128], strides = [1, 1]} : vector<1024x768xf32> to vector<1024x128xf32>
    %swap3A_192 = arith.constant 2 : index
    %swap3A_193 = arith.constant 5120 : index
    %swap3A_194 = arith.constant 0 : index
    %swap3A_195 = vector.load %arg2[%swap3A_192, %swap3A_193, %swap3A_194] : memref<4x7168x128xf32, #tpu.memory_space<vmem>>, vector<1x1024x128xf32>
    %swap3A_196 = vector.shape_cast %swap3A_195 : vector<1x1024x128xf32> to vector<1024x128xf32>
    %swap3A_197 = vector.shape_cast %slice3A_191 : vector<1024x128xf32> to vector<1x1024x128xf32>
    tpu.vector_store %arg2[%swap3A_192, %swap3A_193, %swap3A_194], %swap3A_197 {strides = array<i32>} : memref<4x7168x128xf32, #tpu.memory_space<vmem>>, vector<1x1024x128xf32>,
    %slice3A_198 = vector.extract_strided_slice %dot_general3A_156 {offsets = [0, 640], sizes = [1024, 128], strides = [1, 1]} : vector<1024x768xf32> to vector<1024x128xf32>
    %swap3A_199 = arith.constant 2 : index
    %swap3A_200 = arith.constant 6144 : index
    %swap3A_201 = arith.constant 0 : index
    %swap3A_202 = vector.load %arg2[%swap3A_199, %swap3A_200, %swap3A_201] : memref<4x7168x128xf32, #tpu.memory_space<vmem>>, vector<1x1024x128xf32>
    %swap3A_203 = vector.shape_cast %swap3A_202 : vector<1x1024x128xf32> to vector<1024x128xf32>
    %swap3A_204 = vector.shape_cast %slice3A_198 : vector<1024x128xf32> to vector<1x1024x128xf32>
    tpu.vector_store %arg2[%swap3A_199, %swap3A_200, %swap3A_201], %swap3A_204 {strides = array<i32>} : memref<4x7168x128xf32, #tpu.memory_space<vmem>>, vector<1x1024x128xf32>,
    %get3A_205 = arith.constant 3 : index
    %get3A_206 = arith.constant 0 : index
    %get3A_207 = arith.constant 0 : index
    %get3A_208 = vector.load %arg1[%get3A_205, %get3A_206, %get3A_207] : memref<4x1024x128xf32, #tpu.memory_space<vmem>>, vector<1x1024x128xf32>
    %get3A_209 = vector.shape_cast %get3A_208 : vector<1x1024x128xf32> to vector<1024x128xf32>
    %dot_general3A_210 = arith.constant dense<0.000000e+00> : vector<1024x768xf32>
    %dot_general3A_211 = tpu.matmul %get3A_209, %concatenate3A, %dot_general3A_210 {dimension_numbers = #tpu.dot_dimension_numbers<[1], [0], [0], [1], [0, 0, 1, 1], [], []>, transpose_lhs_hint = false} : vector<1024x128xf32>, vector<128x768xf32>, vector<1024x768xf32> -> vector<1024x768xf32>
    %slice3A_212 = vector.extract_strided_slice %dot_general3A_211 {offsets = [0, 0], sizes = [1024, 128], strides = [1, 1]} : vector<1024x768xf32> to vector<1024x128xf32>
    %swap3A_213 = arith.constant 3 : index
    %swap3A_214 = arith.constant 0 : index
    %swap3A_215 = arith.constant 0 : index
    %swap3A_216 = vector.load %arg2[%swap3A_213, %swap3A_214, %swap3A_215] : memref<4x7168x128xf32, #tpu.memory_space<vmem>>, vector<1x1024x128xf32>
    %swap3A_217 = vector.shape_cast %swap3A_216 : vector<1x1024x128xf32> to vector<1024x128xf32>
    %swap3A_218 = vector.shape_cast %slice3A_212 : vector<1024x128xf32> to vector<1x1024x128xf32>
    tpu.vector_store %arg2[%swap3A_213, %swap3A_214, %swap3A_215], %swap3A_218 {strides = array<i32>} : memref<4x7168x128xf32, #tpu.memory_space<vmem>>, vector<1x1024x128xf32>,
    %slice3A_219 = vector.extract_strided_slice %dot_general3A_211 {offsets = [0, 128], sizes = [1024, 128], strides = [1, 1]} : vector<1024x768xf32> to vector<1024x128xf32>
    %swap3A_220 = arith.constant 3 : index
    %swap3A_221 = arith.constant 1024 : index
    %swap3A_222 = arith.constant 0 : index
    %swap3A_223 = vector.load %arg2[%swap3A_220, %swap3A_221, %swap3A_222] : memref<4x7168x128xf32, #tpu.memory_space<vmem>>, vector<1x1024x128xf32>
    %swap3A_224 = vector.shape_cast %swap3A_223 : vector<1x1024x128xf32> to vector<1024x128xf32>
    %swap3A_225 = vector.shape_cast %slice3A_219 : vector<1024x128xf32> to vector<1x1024x128xf32>
    tpu.vector_store %arg2[%swap3A_220, %swap3A_221, %swap3A_222], %swap3A_225 {strides = array<i32>} : memref<4x7168x128xf32, #tpu.memory_space<vmem>>, vector<1x1024x128xf32>,
    %slice3A_226 = vector.extract_strided_slice %dot_general3A_211 {offsets = [0, 256], sizes = [1024, 128], strides = [1, 1]} : vector<1024x768xf32> to vector<1024x128xf32>
    %swap3A_227 = arith.constant 3 : index
    %swap3A_228 = arith.constant 2048 : index
    %swap3A_229 = arith.constant 0 : index
    %swap3A_230 = vector.load %arg2[%swap3A_227, %swap3A_228, %swap3A_229] : memref<4x7168x128xf32, #tpu.memory_space<vmem>>, vector<1x1024x128xf32>
    %swap3A_231 = vector.shape_cast %swap3A_230 : vector<1x1024x128xf32> to vector<1024x128xf32>
    %swap3A_232 = vector.shape_cast %slice3A_226 : vector<1024x128xf32> to vector<1x1024x128xf32>
    tpu.vector_store %arg2[%swap3A_227, %swap3A_228, %swap3A_229], %swap3A_232 {strides = array<i32>} : memref<4x7168x128xf32, #tpu.memory_space<vmem>>, vector<1x1024x128xf32>,
    %swap3A_233 = arith.constant 3 : index
    %swap3A_234 = arith.constant 3072 : index
    %swap3A_235 = arith.constant 0 : index
    %swap3A_236 = vector.load %arg2[%swap3A_233, %swap3A_234, %swap3A_235] : memref<4x7168x128xf32, #tpu.memory_space<vmem>>, vector<1x1024x128xf32>
    %swap3A_237 = vector.shape_cast %swap3A_236 : vector<1x1024x128xf32> to vector<1024x128xf32>
    %swap3A_238 = vector.shape_cast %get3A_209 : vector<1024x128xf32> to vector<1x1024x128xf32>
    tpu.vector_store %arg2[%swap3A_233, %swap3A_234, %swap3A_235], %swap3A_238 {strides = array<i32>} : memref<4x7168x128xf32, #tpu.memory_space<vmem>>, vector<1x1024x128xf32>,
    %slice3A_239 = vector.extract_strided_slice %dot_general3A_211 {offsets = [0, 384], sizes = [1024, 128], strides = [1, 1]} : vector<1024x768xf32> to vector<1024x128xf32>
    %swap3A_240 = arith.constant 3 : index
    %swap3A_241 = arith.constant 4096 : index
    %swap3A_242 = arith.constant 0 : index
    %swap3A_243 = vector.load %arg2[%swap3A_240, %swap3A_241, %swap3A_242] : memref<4x7168x128xf32, #tpu.memory_space<vmem>>, vector<1x1024x128xf32>
    %swap3A_244 = vector.shape_cast %swap3A_243 : vector<1x1024x128xf32> to vector<1024x128xf32>
    %swap3A_245 = vector.shape_cast %slice3A_239 : vector<1024x128xf32> to vector<1x1024x128xf32>
    tpu.vector_store %arg2[%swap3A_240, %swap3A_241, %swap3A_242], %swap3A_245 {strides = array<i32>} : memref<4x7168x128xf32, #tpu.memory_space<vmem>>, vector<1x1024x128xf32>,
    %slice3A_246 = vector.extract_strided_slice %dot_general3A_211 {offsets = [0, 512], sizes = [1024, 128], strides = [1, 1]} : vector<1024x768xf32> to vector<1024x128xf32>
    %swap3A_247 = arith.constant 3 : index
    %swap3A_248 = arith.constant 5120 : index
    %swap3A_249 = arith.constant 0 : index
    %swap3A_250 = vector.load %arg2[%swap3A_247, %swap3A_248, %swap3A_249] : memref<4x7168x128xf32, #tpu.memory_space<vmem>>, vector<1x1024x128xf32>
    %swap3A_251 = vector.shape_cast %swap3A_250 : vector<1x1024x128xf32> to vector<1024x128xf32>
    %swap3A_252 = vector.shape_cast %slice3A_246 : vector<1024x128xf32> to vector<1x1024x128xf32>
    tpu.vector_store %arg2[%swap3A_247, %swap3A_248, %swap3A_249], %swap3A_252 {strides = array<i32>} : memref<4x7168x128xf32, #tpu.memory_space<vmem>>, vector<1x1024x128xf32>,
    %slice3A_253 = vector.extract_strided_slice %dot_general3A_211 {offsets = [0, 640], sizes = [1024, 128], strides = [1, 1]} : vector<1024x768xf32> to vector<1024x128xf32>
    %swap3A_254 = arith.constant 3 : index
    %swap3A_255 = arith.constant 6144 : index
    %swap3A_256 = arith.constant 0 : index
    %swap3A_257 = vector.load %arg2[%swap3A_254, %swap3A_255, %swap3A_256] : memref<4x7168x128xf32, #tpu.memory_space<vmem>>, vector<1x1024x128xf32>
    %swap3A_258 = vector.shape_cast %swap3A_257 : vector<1x1024x128xf32> to vector<1024x128xf32>
    %swap3A_259 = vector.shape_cast %slice3A_253 : vector<1024x128xf32> to vector<1x1024x128xf32>
    tpu.vector_store %arg2[%swap3A_254, %swap3A_255, %swap3A_256], %swap3A_259 {strides = array<i32>} : memref<4x7168x128xf32, #tpu.memory_space<vmem>>, vector<1x1024x128xf32>,
    return
  }
  func.func @transform_0(%arg0: i32) -> (i32, i32, i32) {
    %c0_i32 = arith.constant 0 : i32
    %c0_i32_0 = arith.constant 0 : i32
    %c0_i32_1 = arith.constant 0 : i32
    return %arg0, %c0_i32, %c0_i32_0 : i32, i32, i32
  }
  func.func @transform_1(%arg0: i32) -> (i32, i32, i32) {
    %c0_i32 = arith.constant 0 : i32
    %c0_i32_0 = arith.constant 0 : i32
    %c0_i32_1 = arith.constant 0 : i32
    return %arg0, %c0_i32, %c0_i32_0 : i32, i32, i32
  }
}

</mosaic_0001>

<sc_bundles>
// kernel: kernel.4.cloned.1.call-start
scs
__scs_entry_jumppad:
0x0: {  	(pc) =	sbr.rel $0x88, $3  }
0x1: {  	(tag) =	ssettag $0x0;
	lr =	simm.s32 $0x1  }
0x2: {  	[smem:$0x3FA0] =	sst lr;
	_ =	strace $0xD0000000  }
0x3: {  	_ = 	snop  }
0x4: {  	_ = 	snop  }
0x5: {  	_ = 	snop  }
0x6: {  	_ = 	snop  }
0x7: {  	_ = 	snop  }
__scs_overlays_trampoline_lowered:
0x8: {  	[smem:$0x3FAF] =	sst s0  }
0x9: {  	[smem:$0x3FB0] =	sst s1  }
0xa: {  	[smem:$0x3FB1] =	sst s2  }
0xb: {  	[smem:$0x3FB2] =	sst s3  }
0xc: {  	[smem:$0x3FB3] =	sst s4  }
0xd: {  	[smem:$0x3FB4] =	sst s5  }
0xe: {  	[smem:$0x3FB5] =	sst s6  }
0xf: {  	[smem:$0x3FB6] =	sst s7  }
0x10: {  	[smem:$0x3FB7] =	sst s8  }
0x11: {  	[smem:$0x3FB8] =	sst s9;
	s0 =	simm.s32 @!p0 $0x0  }
0x12: {  	s1 =	sld [smem:$0x3F9E];
	s0 =	simm.s32 @p0 $0x1  }
0x13: {  	[smem:$0x3FB9] =	sst s0;
	s0 =	simm.s32 @!p1 $0x0  }
0x14: {  	s2 =	sld [smem:$0x3F9D];
	s0 =	simm.s32 @p1 $0x1  }
0x15: {  	[smem:$0x3FBA] =	sst s0;
	s0 =	simm.s32 @!p2 $0x0  }
0x16: {  	s3 =	sld [smem:$0x3FDB];
	s0 =	simm.s32 @p2 $0x1  }
0x17: {  	s4 =	simm.s32 $0x1BF5;
	[smem:$0x3FBC] =	sst s0  }
0x18: {  	s0 =	sld [smem:$0x3F9F];
	_ =	swait.ge [sflag:s4], $0x0  }
0x19: {  	s7 =	sld [smem:$0x3FA0]  }
0x1a: {  	s8 =	sadd.s32 $0xFFFFE003, lr  }
0x1b: {  	s9 =	sadd.s32 $0xFFFFFEF7, lr;
	s5 =	simm.s32 $0xFFFFFFFF;
	p2 =	slt.u32 s8, $0xFFFFF086  }
0x1c: {  	p1 =	slt.u32 s9, $0xF7A;
	s5 =	simm.s32 @!p2 $0x0  }
0x1d: {  	s5 =	simm.s32 @p1 $0x1;
	p0 =	seq.s32 s7, s2  }
0x1e: {  	s7 =	smul.u32 @!p0 $0xF7A, s2;
	p2 =	seq.s32 @!p0 s5, $0x0  }
0x1f: {  	s9 =	smul.u32 $0xF7A, s1;
	s8 =	simm.s32 @!p0 $0x1BF5;
	p2 =	por !p2, p0  }
0x20: {  	[sflag:s8] =	ssyncset.s32 @!p0 $0xFFFFF086;
	s6 =	sadd.s32 @!p0 s3, s7;
	s7 =	simm.s32 @!p0 $0x108  }
0x21: {  	s3 =	sadd.s32 s3, s9;
	s6 =	sadd.s32 @!p0 $0x88, s6;
	s7 =	simm.s32 @p2 $0x1082  }
0x22: {  	[simem:s7], [sflag:s8] =	dma.local @!p0 [hbm:s6], $0xF7A  }
0x23: {  	s9 =	sor.u32 $0xD0000000, s2;
	s6 =	simm.s32 $0x108;
	_ =	swait.ge @!p0 [sflag:s8], $0x0  }
0x24: {  	s3 =	sadd.s32 $0x88, s3;
	s6 =	simm.s32 @!p1 $0x1082;
	[sflag:s4] =	ssyncset.s32 $0xFFFFF086  }
0x25: {  	[simem:s6], [sflag:s4] =	dma.local [hbm:s3], $0xF7A  }
0x26: {  	[smem:$0x3FA0] =	sst s1;
	(tag) =	ssettag s2;
	_ =	strace s9  }
0x27: {  	s1 =	sld [smem:$0x3FB0]  }
0x28: {  	s2 =	sld [smem:$0x3FB1]  }
0x29: {  	s4 =	sld [smem:$0x3FB3]  }
0x2a: {  	p0 =	seq.s32 s5, $0x0;
	s5 =	sld [smem:$0x3FB4]  }
0x2b: {  	s6 =	sld [smem:$0x3FB5]  }
0x2c: {  	s7 =	sld [smem:$0x3FB6]  }
0x2d: {  	s3 =	simm.s32 $0x108;
	s8 =	sld [smem:$0x3FB7]  }
0x2e: {  	s3 =	simm.s32 @!p0 $0x1082;
	s9 =	sld [smem:$0x3FB8]  }
0x2f: {  	lr =	sadd.s32 s0, s3;
	s0 =	sld [smem:$0x3FAF]  }
0x30: {  	s3 =	sld [smem:$0x3FB2]  }
0x31: {  	[smem:$0x3FBB] =	sst s10  }
0x32: {  	s10 =	sld [smem:$0x3FB9];
	_ =	sdelay $0x3  }
0x33: {  	p0 =	seq.s32 s10, $0x1;
	s10 =	sld [smem:$0x3FBB];
	_ =	sdelay $0x3  }
0x34: {  	[smem:$0x3FBB] =	sst s10  }
0x35: {  	s10 =	sld [smem:$0x3FBA];
	_ =	sdelay $0x3  }
0x36: {  	p1 =	seq.s32 s10, $0x1;
	s10 =	sld [smem:$0x3FBB];
	_ =	sdelay $0x3  }
0x37: {  	[smem:$0x3FBB] =	sst s10  }
0x38: {  	s10 =	sld [smem:$0x3FBC]  }
0x39: {  	_ = 	snop;
	(pc) =	sbr.ind lr, $3  }
0x3a: {  	_ = 	snop  }
0x3b: {  	_ = 	snop  }
0x3c: {  	p2 =	seq.s32 s10, $0x1;
	s10 =	sld [smem:$0x3FBB]  }
0x3d: {  	_ =	shalt  }
0x3e: {  	_ =	shalt  }
0x3f: {  	_ =	shalt  }
0x40: {  	_ =	shalt  }
0x41: {  	_ =	shalt  }
0x42: {  	_ =	shalt  }
0x43: {  	_ =	shalt  }
0x44: {  	_ =	shalt  }
0x45: {  	_ =	shalt  }
0x46: {  	_ =	shalt  }
0x47: {  	_ =	shalt  }
0x48: {  	_ =	shalt  }
0x49: {  	_ =	shalt  }
0x4a: {  	_ =	shalt  }
0x4b: {  	_ =	shalt  }
0x4c: {  	_ =	shalt  }
0x4d: {  	_ =	shalt  }
0x4e: {  	_ =	shalt  }
0x4f: {  	_ =	shalt  }
0x50: {  	_ =	shalt  }
0x51: {  	_ =	shalt  }
0x52: {  	_ =	shalt  }
0x53: {  	_ =	shalt  }
0x54: {  	_ =	shalt  }
0x55: {  	_ =	shalt  }
0x56: {  	_ =	shalt  }
0x57: {  	_ =	shalt  }
0x58: {  	_ =	shalt  }
0x59: {  	_ =	shalt  }
0x5a: {  	_ =	shalt  }
0x5b: {  	_ =	shalt  }
0x5c: {  	_ =	shalt  }
0x5d: {  	_ =	shalt  }
0x5e: {  	_ =	shalt  }
0x5f: {  	_ =	shalt  }
0x60: {  	_ =	shalt  }
0x61: {  	_ =	shalt  }
0x62: {  	_ =	shalt  }
0x63: {  	_ =	shalt  }
0x64: {  	_ =	shalt  }
0x65: {  	_ =	shalt  }
0x66: {  	_ =	shalt  }
0x67: {  	_ =	shalt  }
0x68: {  	_ =	shalt  }
0x69: {  	_ =	shalt  }
0x6a: {  	_ =	shalt  }
0x6b: {  	_ =	shalt  }
0x6c: {  	_ =	shalt  }
0x6d: {  	_ =	shalt  }
0x6e: {  	_ =	shalt  }
0x6f: {  	_ =	shalt  }
0x70: {  	_ =	shalt  }
0x71: {  	_ =	shalt  }
0x72: {  	_ =	shalt  }
0x73: {  	_ =	shalt  }
0x74: {  	_ =	shalt  }
0x75: {  	_ =	shalt  }
0x76: {  	_ =	shalt  }
0x77: {  	_ =	shalt  }
0x78: {  	_ =	shalt  }
0x79: {  	_ =	shalt  }
0x7a: {  	_ =	shalt  }
0x7b: {  	_ =	shalt  }
0x7c: {  	_ =	shalt  }
0x7d: {  	_ =	shalt  }
0x7e: {  	_ =	shalt  }
0x7f: {  	_ =	shalt  }
0x80: {  	_ =	shalt  }
0x81: {  	_ =	shalt  }
0x82: {  	_ =	shalt  }
0x83: {  	_ =	shalt  }
0x84: {  	_ =	shalt  }
0x85: {  	_ =	shalt  }
0x86: {  	_ =	shalt  }
0x87: {  	_ =	shalt  }
.Lfunc_end0:
.L_simem_size_0:
called_computation_lowered:
.L_overlay_start_0:
0x88: {  	s2 =	sld [smem:$0x3FD9]  }
0x89: {  	s3 =	sld [smem:$0x3FFE];
	_ =	sdelay $0x1  }
0x8a: {  	s1 =	srdreg.scid  }
0x8b: {  	s0 =	sand.u32 $0x1, s1  }
0x8c: {  	s17 =	sshll.u32 s0, $0xA;
	s2 =	sadd.s32 s3, s2  }
0x8d: {  	s2 =	sadd.s32 s2, s17  }
0x8e: {  	[smem:$0x3FC7] =	sst s2  }
0x8f: {  	_ = 	snop  }
0x90: {  	s2 =	sld [smem:$0x3FD0];
	(tm) =	ssettm $0x1  }
0x91: {  	s18 =	sld [smem:$0x3FFB];
	_ =	sdelay $0x3  }
0x92: {  	_ =	strace s18  }
0x93: {  	s3 =	sld [smem:$0x3FFC];
	_ =	sdelay $0x3  }
0x94: {  	_ =	strace s3  }
0x95: {  	s3 =	sld [smem:$0x3FFD];
	_ =	sdelay $0x3  }
0x96: {  	_ =	strace s3  }
0x97: {  	_ =	strace $0x8FFFFFFF  }
0x98: {  	s19 =	sld [smem:$0x3FDB];
	_ =	sdelay $0x1  }
0x99: {  	s4 =	simm.s32 $_scs_section_size  }
0x9a: {  	s5 =	simm.s32 $_size__tile_overlayer_lowered;
	s6 =	simm.s32 $_tile_overlayer_lowered  }
0x9b: {  	s22 =	simm.s32 $0x1BFF;
	s21 =	sshll.u32 s6, $0x1;
	s3 =	sadd.s32 s4, s19  }
0x9c: {  	s7 =	simm.s32 $0x0;
	s20 =	sshll.u32 s5, $0x1;
	s5 =	sadd.s32 s21, s3  }
0x9d: {  	[timem:s7], [sflag:s22] =	dma.local [hbm:s5], s20  }
0x9e: {  	_ =	swait.ge [sflag:s22], s20  }
0x9f: {  	s4 =	ssub.s32 $0x0, s20;
	[sflag:s22] =	ssyncset.done $0x0  }
0xa0: {  	[sflag:s22] =	ssyncadd.s32 s4;
	_ =	sdelay $0x1  }
0xa1: {  	s23 =	simm.s32 $0x1B8B  }
0xa2: {  	_ =	swait.ge [sflag:s23], $0x1  }
0xa3: {  	[sflag:s23] =	ssyncset.done $0x0  }
0xa4: {  	s25 =	simm.s32 $0x1B8E;
	s24 =	sld [smem:$0x3FFE];
	[sflag:s23] =	ssyncadd.s32 $0xFFFFFFFF  }
0xa5: {  	s26 =	simm.s32 $execute0_lowered;
	[smem:$0x3FD2] =	sst s25  }
0xa6: {  	s5 =	sshll.u32 s26, $0x1;
	_ =	strace $0x80000046;
	[dreg:$0x1] =	wrdreg $0xFFFFFFFF  }
0xa7: {  	s28 =	simm.s32 $_size_execute0_lowered;
	s3 =	sadd.s32 s3, s5;
	[dreg:$0x0] =	wrdreg $0x0  }
0xa8: {  	s5 =	sshll.u32 s28, $0x1;
	[dreg:$0x2] =	wrdreg s3  }
0xa9: {  	[dreg:$0x3] =	wrdreg s5  }
0xaa: {  	[dreg:$0x4] =	wrdreg $0xC0  }
0xab: {  	_ =	task [dreg:s7], $0x5FFFF  }
0xac: {  	[dreg:$0x1] =	wrdreg $0xFFFFFFFF  }
0xad: {  	[dreg:$0x0] =	wrdreg $0x60  }
0xae: {  	[dreg:$0x2] =	wrdreg s2  }
0xaf: {  	[dreg:$0x3] =	wrdreg s24  }
0xb0: {  	[dreg:$0x4] =	wrdreg $0x9  }
0xb1: {  	_ =	task.clear_ibuf [dreg:s7], $0x5FFFF;
	_ =	strace $0x90000046  }
0xb2: {  	s29 =	simm.s32 $0x9;
	_ =	strace $0x80000048  }
0xb3: {  	_ =	swait.ge [sflag:s29], $0x1  }
0xb4: {  	[sflag:s29] =	ssyncadd.s32 $0xFFFFFFFF  }
0xb5: {  	_ =	strace $0x90000048  }
0xb6: {  	_ =	sfence  }
0xb7: {  	s30 =	sld [smem:$0x0];
	_ =	sdelay $0x2  }
0xb8: {  	s31 =	sshll.u32 s1, $0xD;
	s1 =	sshrl.u32 s1, $0x2  }
0xb9: {  	s3 =	sand.u32 $0x4000, s31;
	s1 =	sadd.s32 s1, s30  }
0xba: {  	s0 =	sor.u32 s3, s0;
	s1 =	sshll.u32 s1, $0x11  }
0xbb: {  	s0 =	sor.u32 s1, s0  }
0xbc: {  	s0 =	sadd.s32 $0x8F2B, s0  }
0xbd: {  	[sflag:s0] =	ssyncadd.remote.s32 $0x1  }
0xbe: {  	_ =	sfence.sel $0xFFFF  }
0xbf: {  	[dreg:$0x0] =	wrdreg $0xFFFFFFFF;
	(pc) =	sbr.abs _section_cstart, $3  }
0xc0: {  	[dreg:$0x1] =	wrdreg $0xFFFFFFFF  }
0xc1: {  	_ =	task.clear_ibuf [dreg:s7], $0x2FFFF;
	_ =	strace $0x9FFFFFFF  }
0xc2: {  	(tm) =	ssettm $0x7FFFFFFF  }
0xc3: {  	_ =	shalt  }
tec
execute0_lowered:
.L_overlay_start_1:
0x0: {  	(tag) =	ssettag $0x1  }
0x1: {  	s1 =	srdreg.scid  }
0x2: {  	s0 =	stileid.u32;
	s4 =	sand.u32 $0x1, s1  }
0x3: {  	s5 =	rddreg [dreg:$0x0];
	s1 =	sor.u32 s4, s0  }
0x4: {  	s6 =	rddreg [dreg:$0x1];
	p1 =	seq.s32 s4, $0x1;
	p0 =	seq.s32 s1, $0x0  }
0x5: {  	s2 =	simm.s32 $0x0;
	s3 =	simm.s32 $0x1;
	p0 =	por !p0, !p1  }
0x6: {  	s10 =	simm.s32 $0x2;
	s11 =	simm.s32 $0x0;
	p0 =	por !p0, !p0  }
0x7: {  	[smem:$0x7FF] =	sst s2;
	s8 =	sshll.u32 s4, $0x6;
	s3 =	simm.s32 @!p0 $0x0  }
0x8: {  	s30 =	sshll.u32 s4, $0xC;
	s4 =	ssub.s32 $0x2, s4;
	s7 =	ssub.s32 s0, s3  }
0x9: {  	s1 =	rddreg [dreg:$0x2];
	_ =	strace $0x80000047;
	s9 =	sshll.u32 s7, $0x11  }
0xa: {  	s31 =	sshrl.u32 s4, $0x1;
	s7 =	sshll.u32 s7, $0xD;
	s8 =	sor.u32 s8, s9  }
0xb: {  	s3 =	simm.s32 $0x1;
	s7 =	sor.u32 s30, s7;
	s8 =	sshrl.u32 s8, $0x3  }
0xc: {  	s9 =	simm.s32 $0x80;
	s7 =	sshrl.u32 s7, $0x3;
	s6 =	sadd.s32 s8, s6  }
0xd: {  	v0 =	vlaneseq.u32;
	s8 =	ssub.s32 s4, s31;
	s4 =	sadd.s32 s5, s7;
	s7 =	simm.s32 $0x1000  }
0xe: {  	v1 =	vimm.f32 $0.0e+00;
	v3 =	vimm.f32 $1.000000000e+00;
	v2 =	vand.u32 $0x7, v0;
	s5 =	sadd.s32 $0x400, s6;
	s6 =	smax.u32 s8, $0x1;
	s8 =	simm.s32 $0x40  }
.LBB2_1:
0xf: {  	[tilespmem:s2], [sflag:$0x1] =	stream.linear.gather [hbm4b:s4+s2], $0x1000, $0x38;
	[tilespmem:$0x11000] =	vst v63  }
0x10: {  	s13 =	simm.s32 $0x100;
	s12 =	simm.s32 $0x0  }
.LBB2_2:
0x11: {  	p0 =	sne.s32 s13, $0x3FF00;
	[tilespmem:s12+$0x1030] =	vst v1;
	s14 =	smov.u32 s13;
	s13 =	sadd.s32 $0x100, s13  }
.Ltmp0:
0x12: {  	[tilespmem:s12+$0x1020] =	vst v1;
	(pc) =	sbr.rel @p0 .LBB2_2-.Ltmp0, $3  }
0x13: {  	[tilespmem:s12+$0x1000] =	vst v1  }
0x14: {  	[tilespmem:s12+$0x1010] =	vst v1;
	_ =	sdelay $0x1  }
0x15: {  	s12 =	sshra.s32 s14, $0x2  }
0x16: {  	s13 =	simm.s32 $0x0  }
0x17: {  	v4 =	vmov s13  }
0x18: {  	s31 =	simm.s32 $0x0;
	v5 =	vand.u32 $0x3F, v4  }
0x19: {  	[tilespmem:s12+$0x1030] =	vst v1;
	v4 =	vor.u32 s31, v0;
	v5 =	vbroadcast v5, $0x0  }
0x1a: {  	[tilespmem:s12+$0x1020] =	vst v1;
	v6 =	vshll.u32 v4, $0x6  }
0x1b: {  	[tilespmem:s12+$0x1000] =	vst v1;
	v5 =	vor.u32 v5, v6  }
0x1c: {  	[tilespmem:s12+$0x1010] =	vst v1  }
0x1d: {  	_ =	swait.ge [sflag:s3], $0x1000  }
0x1e: {  	[sflag:s3] =	ssyncset.done $0x0  }
0x1f: {  	[sflag:s3] =	ssyncadd.s32 $0xFFFFF000  }
0x20: {  	v5 =	vld.idx.msk [tilespmem:v5+s2+$0x0], $0xffff;
	_ =	sdelay $0x3  }
0x21: {  	s12 =	simm.s32 $0x0;
	s14 =	simm.s32 $0x0;
	s13 =	simm.s32 $0x2  }
.LBB2_4:
0x22: {  	p0 =	sne.s32 s13, $0xFF;
	s15 =	sshll.u32 s14, $0x6;
	v6 =	vmov s14;
	v5 =	vshll.u32 v5, $0x6;
	s12 =	sadd.s32 $0x10, s12  }
0x23: {  	v7 =	vand.u32 $0xFFFFFFF8, v4;
	s14 =	ssub.s32 s12, s15;
	v6 =	vand.u32 $0x3F, v6;
	v5 =	vand.u32 $0xFFC0, v5  }
0x24: {  	v4 =	vor.u32 s14, v0;
	v6 =	vbroadcast v6, $0x0;
	v5 =	vadd.s32 v7, v5  }
0x25: {  	v7 =	vshll.u32 v4, $0x6;
	v5 =	vor.u32 v2, v5  }
0x26: {  	v6 =	vor.u32 v6, v7;
	_ =	sdelay $0x3  }
0x27: {  	[tilespmem:v5+s7+$0x0] =	vst.idx.add.f32.msk $0xffff, v3  }
0x28: {  	v5 =	vld.idx.msk [tilespmem:v6+s2+$0x0], $0xffff  }
.Ltmp1:
0x29: {  	(pc) =	sbr.rel @p0 .LBB2_4-.Ltmp1, $2  }
0x2a: {  	_ =	sdelay $0x2  }
0x2b: {  	s14 =	sshrl.u32 s13, $0x2;
	s13 =	sadd.s32 $0x1, s13  }
0x2c: {  	s13 =	sshll.u32 s14, $0x6;
	v6 =	vmov s14;
	v5 =	vshll.u32 v5, $0x6;
	s12 =	sadd.s32 $0x10, s12  }
0x2d: {  	v4 =	vand.u32 $0xFFFFFFF8, v4;
	s12 =	ssub.s32 s12, s13;
	v6 =	vand.u32 $0x3F, v6;
	v5 =	vand.u32 $0xFFC0, v5  }
0x2e: {  	v7 =	vor.u32 s12, v0;
	v6 =	vbroadcast v6, $0x0;
	v4 =	vadd.s32 v4, v5  }
0x2f: {  	v5 =	vshll.u32 v7, $0x6;
	v4 =	vor.u32 v2, v4  }
0x30: {  	v5 =	vor.u32 v6, v5;
	_ =	sdelay $0x3  }
0x31: {  	[tilespmem:v4+s7+$0x0] =	vst.idx.add.f32.msk $0xffff, v3  }
0x32: {  	v4 =	vld.idx.msk [tilespmem:v5+s2+$0x0], $0xffff;
	_ =	sdelay $0x4  }
0x33: {  	v4 =	vshll.u32 v4, $0x6  }
0x34: {  	v5 =	vand.u32 $0xFFFFFFF8, v7;
	v4 =	vand.u32 $0xFFC0, v4  }
0x35: {  	v4 =	vadd.s32 v5, v4  }
0x36: {  	v4 =	vor.u32 v2, v4;
	_ =	sdelay $0x2  }
0x37: {  	s11 =	sadd.s32 $0x1, s11  }
0x38: {  	p0 =	sne.s32 s11, s6  }
.Ltmp2:
0x39: {  	[tilespmem:v4+s7+$0x0] =	vst.idx.add.f32.msk $0xffff, v3;
	(pc) =	sbr.rel @p0 .LBB2_1-.Ltmp2, $4  }
0x3a: {  	[hbm4b:s5+s8] =	stream.strided.scatter [tilespmem:s7], [sflag:$0x2], $0x10000, s9, s8, $0x38;
	[tilespmem:$0x11000] =	vst v63  }
0x3b: {  	_ =	swait.ge [sflag:s10], $0x10000  }
0x3c: {  	[sflag:s10] =	ssyncset.done $0x0  }
0x3d: {  	[sflag:s10] =	ssyncadd.s32 $0xFFFF0000  }
0x3e: {  	_ =	sfence.sel $0x180000  }
0x3f: {  	[bflag:$0x0] =	sbarrier.arrive $0xFFFF  }
0x40: {  	p0 =	sne.s32 s0, $0x0;
	_ =	strace $0x90000047  }
0x41: {  	s0 =	sadd.s32 @!p0 $0x100000, s1;
	[bflag:$0x2] =	sbarrier.arrive $0xFFFF  }
0x42: {  	[sflag:s0] =	ssyncadd.tile.s32 @!p0 $0x1;
	_ =	shalt  }
.Lfunc_end2:
_tile_overlayer_lowered:
.L_overlay_start_2:
0x43: {  	(tag) =	ssettag $0x2  }
0x44: {  	s0 =	rddreg [dreg:$0x0];
	s2 =	stileid.u32  }
0x45: {  	s1 =	rddreg [dreg:$0x1];
	p0 =	sne.s32 s2, $0x0  }
0x46: {  	s3 =	rddreg [dreg:$0x2];
	[bflag:$0x3] =	sbarrier.arrive $0xFFFF;
	s2 =	simm.s32 @!p0 $0x1C02  }
0x47: {  	[timem:s3], [sflag:s2] =	dma.local @!p0 [hbm:s0], s1  }
0x48: {  	s0 =	simm.s32 @!p0 $0x2  }
0x49: {  	_ =	swait.ge @!p0 [sflag:s0], s1  }
0x4a: {  	s1 =	ssub.s32 @!p0 $0x0, s1;
	[sflag:s0] =	ssyncset.done @!p0 $0x0  }
0x4b: {  	[sflag:s0] =	ssyncadd.s32 @!p0 s1  }
0x4c: {  	[bflag:$0x3] =	sbarrier.arrive $0xFFFF  }
0x4d: {  	_ =	shalt  }

</sc_bundles>
